<compile_context>
chip_gen: v7x
topology: tpu7x:2x2x1
jax: 0.10.2.dev20260603
libtpu: 0.0.44.dev20260713+nightly
codegen_flags: <defaults>
</compile_context>

<pallas_src>
import jax
import jax.numpy as jnp
from jax.experimental import pallas as pl
from jax.experimental.pallas import tpu as pltpu

_LEAD = 1024
_BLOCK = 32


def _copy_body(x_ref, o_ref):
    o_ref[...] = x_ref[...]


def kernel(inputs):
    x = inputs.reshape(_LEAD, 200, 176)
    out = pl.pallas_call(
        _copy_body,
        out_shape=jax.ShapeDtypeStruct(x.shape, x.dtype),
        grid=(_LEAD // _BLOCK,),
        in_specs=[pl.BlockSpec((_BLOCK, 200, 176), lambda i: (i, 0, 0))],
        out_specs=pl.BlockSpec((_BLOCK, 200, 176), lambda i: (i, 0, 0)),
    )(x)
    return out.reshape(inputs.shape)

# --- scband reference (transcript-rebuilt; emitter-appended) ---
"""Pipeline reference for scband-scatter-dense-29403346108625 (READ-ONLY COPY).

The authoritative reference and input builder live on the scoring server;
editing this copy changes nothing except your own understanding.
"""

import jax, jax.numpy as jnp
import numpy as np

def setup_inputs(seed: int = 0) -> dict:
    key = jax.random.key(seed)
    inputs = jax.random.normal(key, (4, 128, 2, 200, 176), dtype=jnp.float32)
    return {"inputs": inputs}

def reference(inputs):
    # ScatterDense.forward: for a plain dense tensor (not spconv.SparseConvTensor
    # and not under torch.jit tracing), the module simply returns the input.
    # Faithful translation is the identity.
    return inputs

if __name__ == "__main__":
    import jax
    _d = setup_inputs()
    print(jax.jit(kernel)(*tuple(_d.values())))

</pallas_src>

<mosaic_0001>
module attributes {stable_mosaic.version = 14 : i64} {
  func.func @_copy_body(%arg0: i32, %arg1: memref<32x200x176xf32, #tpu.memory_space<vmem>>, %arg2: memref<32x200x176xf32, #tpu.memory_space<vmem>>) attributes {dimension_semantics = [#tpu.dimension_semantics<arbitrary>], iteration_bounds = array<i64: 32>, scalar_prefetch = 0 : i64, scratch_operands = 0 : i64, tpu.core_type = #tpu.core_type<tc>, window_params = [{transform_indices = @transform_0, window_bounds = array<i64: 32, 200, 176>}, {transform_indices = @transform_1, window_bounds = array<i64: 32, 200, 176>}]} {
    %get3A = arith.constant 0 : index
    %get3A_0 = arith.constant 0 : index
    %get3A_1 = arith.constant 0 : index
    %get3A_2 = vector.load %arg1[%get3A, %get3A_0, %get3A_1] : memref<32x200x176xf32, #tpu.memory_space<vmem>>, vector<32x200x176xf32>
    %swap3A = arith.constant 0 : index
    %swap3A_3 = arith.constant 0 : index
    %swap3A_4 = arith.constant 0 : index
    %swap3A_5 = vector.load %arg2[%swap3A, %swap3A_3, %swap3A_4] : memref<32x200x176xf32, #tpu.memory_space<vmem>>, vector<32x200x176xf32>
    tpu.vector_store %arg2[%swap3A, %swap3A_3, %swap3A_4], %get3A_2 {strides = array<i32>} : memref<32x200x176xf32, #tpu.memory_space<vmem>>, vector<32x200x176xf32>,
    return
  }
  func.func @transform_0(%arg0: i32) -> (i32, i32, i32) {
    %c0_i32 = arith.constant 0 : i32
    %c0_i32_0 = arith.constant 0 : i32
    %c0_i32_1 = arith.constant 0 : i32
    return %arg0, %c0_i32, %c0_i32_0 : i32, i32, i32
  }
  func.func @transform_1(%arg0: i32) -> (i32, i32, i32) {
    %c0_i32 = arith.constant 0 : i32
    %c0_i32_0 = arith.constant 0 : i32
    %c0_i32_1 = arith.constant 0 : i32
    return %arg0, %c0_i32, %c0_i32_0 : i32, i32, i32
  }
}

</mosaic_0001>

<sc_bundles>
// kernel: sparse-core-data-format-call.cloned.1.call-start
scs
called_computation_lowered:
.L_overlay_start_0:
0x0: {  	s2 =	sld [smem:$0x3FD9]  }
0x1: {  	s3 =	sld [smem:$0x3FFE];
	_ =	sdelay $0x1  }
0x2: {  	s1 =	srdreg.scid  }
0x3: {  	s0 =	sand.u32 $0x1, s1  }
0x4: {  	s18 =	sshll.u32 s0, $0xA;
	s2 =	sadd.s32 s3, s2  }
0x5: {  	s2 =	sadd.s32 s2, s18  }
0x6: {  	[smem:$0x3FC7] =	sst s2  }
0x7: {  	_ = 	snop  }
0x8: {  	s2 =	sld [smem:$0x3FD0];
	(tm) =	ssettm $0x1  }
0x9: {  	s19 =	sld [smem:$0x3FFB];
	_ =	sdelay $0x3  }
0xa: {  	_ =	strace s19  }
0xb: {  	s3 =	sld [smem:$0x3FFC];
	_ =	sdelay $0x3  }
0xc: {  	_ =	strace s3  }
0xd: {  	s3 =	sld [smem:$0x3FFD];
	_ =	sdelay $0x3  }
0xe: {  	_ =	strace s3  }
0xf: {  	_ =	strace $0x8FFFFFFF  }
0x10: {  	s20 =	sld [smem:$0x3FDB];
	_ =	sdelay $0x1  }
0x11: {  	s4 =	simm.s32 $_scs_section_size  }
0x12: {  	s5 =	simm.s32 $_size__tile_overlayer_lowered;
	s6 =	simm.s32 $_tile_overlayer_lowered  }
0x13: {  	s23 =	simm.s32 $0x1BFF;
	s22 =	sshll.u32 s6, $0x1;
	s3 =	sadd.s32 s4, s20  }
0x14: {  	s7 =	simm.s32 $0x0;
	s21 =	sshll.u32 s5, $0x1;
	s5 =	sadd.s32 s22, s3  }
0x15: {  	[timem:s7], [sflag:s23] =	dma.local [hbm:s5], s21  }
0x16: {  	_ =	swait.ge [sflag:s23], s21  }
0x17: {  	s4 =	ssub.s32 $0x0, s21;
	[sflag:s23] =	ssyncset.done $0x0  }
0x18: {  	[sflag:s23] =	ssyncadd.s32 s4;
	_ =	sdelay $0x1  }
0x19: {  	s24 =	simm.s32 $0x1B8B  }
0x1a: {  	_ =	swait.ge [sflag:s24], $0x1  }
0x1b: {  	[sflag:s24] =	ssyncset.done $0x0  }
0x1c: {  	s26 =	simm.s32 $0x1B8E;
	s25 =	sld [smem:$0x3FFE];
	[sflag:s24] =	ssyncadd.s32 $0xFFFFFFFF  }
0x1d: {  	s27 =	simm.s32 $execute0_lowered;
	[smem:$0x3FD2] =	sst s26  }
0x1e: {  	s5 =	sshll.u32 s27, $0x1;
	_ =	strace $0x80000046;
	[dreg:$0x1] =	wrdreg $0xFFFFFFFF  }
0x1f: {  	s28 =	simm.s32 $_size_execute0_lowered;
	s3 =	sadd.s32 s3, s5;
	[dreg:$0x0] =	wrdreg $0x0  }
0x20: {  	s5 =	sshll.u32 s28, $0x1;
	[dreg:$0x2] =	wrdreg s3  }
0x21: {  	[dreg:$0x3] =	wrdreg s5  }
0x22: {  	[dreg:$0x4] =	wrdreg $0xC0  }
0x23: {  	_ =	task [dreg:s7], $0x5FFFF  }
0x24: {  	[dreg:$0x1] =	wrdreg $0xFFFFFFFF  }
0x25: {  	[dreg:$0x0] =	wrdreg $0x60  }
0x26: {  	[dreg:$0x2] =	wrdreg s25  }
0x27: {  	[dreg:$0x3] =	wrdreg s2  }
0x28: {  	[dreg:$0x4] =	wrdreg $0x9  }
0x29: {  	_ =	task.clear_ibuf [dreg:s7], $0x5FFFF;
	_ =	strace $0x90000046  }
0x2a: {  	s29 =	simm.s32 $0x9;
	_ =	strace $0x80000048  }
0x2b: {  	_ =	swait.ge [sflag:s29], $0x1  }
0x2c: {  	[sflag:s29] =	ssyncadd.s32 $0xFFFFFFFF  }
0x2d: {  	_ =	strace $0x90000048  }
0x2e: {  	_ =	sfence  }
0x2f: {  	s30 =	sld [smem:$0x0];
	_ =	sdelay $0x2  }
0x30: {  	s31 =	sshll.u32 s1, $0xD;
	s1 =	sshrl.u32 s1, $0x2  }
0x31: {  	s3 =	sand.u32 $0x4000, s31;
	s1 =	sadd.s32 s1, s30  }
0x32: {  	s0 =	sor.u32 s3, s0;
	s1 =	sshll.u32 s1, $0x11  }
0x33: {  	s0 =	sor.u32 s1, s0  }
0x34: {  	s0 =	sadd.s32 $0x8F2B, s0  }
0x35: {  	[sflag:s0] =	ssyncadd.remote.s32 $0x1  }
0x36: {  	_ =	sfence.sel $0xFFFF  }
0x37: {  	[dreg:$0x0] =	wrdreg $0xFFFFFFFF;
	(pc) =	sbr.abs _section_cstart, $3  }
0x38: {  	[dreg:$0x1] =	wrdreg $0xFFFFFFFF  }
0x39: {  	_ =	task.clear_ibuf [dreg:s7], $0x2FFFF;
	_ =	strace $0x9FFFFFFF  }
0x3a: {  	(tm) =	ssettm $0x7FFFFFFF  }
0x3b: {  	_ =	shalt  }
tec
execute0_lowered:
.L_overlay_start_1:
0x0: {  	(tag) =	ssettag $0x1  }
0x1: {  	s0 =	rddreg [dreg:$0x0];
	s1 =	stileid.u32  }
0x2: {  	_ =	strace $0x80000047;
	s30 =	srdreg.scid;
	s2 =	simm.s32 $0x1  }
0x3: {  	s31 =	simm.s32 $0x2;
	s22 =	simm.s32 $0x0;
	p0 =	por $0x0, $0x0  }
0x4: {  	s23 =	simm.s32 $0x0;
	s25 =	simm.s32 $0x0;
	s24 =	simm.s32 $0x0  }
0x5: {  	s26 =	simm.s32 $0x0;
	s12 =	simm.s32 $0x0;
	s13 =	simm.s32 $0x0  }
0x6: {  	s14 =	simm.s32 $0x0;
	s15 =	simm.s32 $0x0;
	s19 =	simm.s32 $0x0  }
0x7: {  	s21 =	simm.s32 $0x0;
	s4 =	sshrl.u32 s1, $0x2;
	s0 =	sadd.s32 $0x640400, s0  }
0x8: {  	s5 =	sshrl.u32 s1, $0x3;
	[sflag:s2] =	ssyncpa.u1 $0x0;
	s2 =	simm.s32 $0x0  }
0x9: {  	[dreg:$0x3] =	wrdreg s0;
	s4 =	sand.u32 $0x1, s4;
	s8 =	ssub.s32 $0xC8, s5  }
0xa: {  	s6 =	ssub.s32 $0x2, s4;
	s10 =	sshrl.u32 s8, $0x1;
	s8 =	sand.u32 $0x1, s8  }
.Ltmp0:
0xb: {  	s7 =	sshrl.u32 s6, $0x1;
	s9 =	sand.u32 $0x1, s6;
	(pc) =	sbr.rel .LBB1_1-.Ltmp0, $4  }
0xc: {  	s0 =	sshll.u32 s30, $0x7;
	s8 =	sadd.s32 s8, s10;
	s7 =	sadd.s32 s9, s7  }
0xd: {  	[sflag:s31] =	ssyncpa.u1 $0x0;
	s17 =	smov.u32 s5;
	s7 =	smul.u32 s8, s7  }
0xe: {  	s18 =	smov.u32 s4;
	s9 =	sand.u32 $0x80, s0;
	s8 =	sand.u32 $0x3, s1  }
0xf: {  	s10 =	sshll.u32 s9, $0x3;
	s20 =	smov.u32 s8;
	s11 =	sadd.s32 $0x1, s7  }
.LBB1_4:
0x10: {  	s1 =	sshrl.u32 s15, $0x4  }
0x11: {  	p1 =	sgt.s32 s2, $0x3;
	s16 =	smov.u32 s2;
	s31 =	sshra.s32 s2, $0x1F  }
0x12: {  	s1 =	sadd.s32 s1, s12;
	s16 =	simm.s32 @!p1 $0x3;
	s6 =	sand.u32 s31, s2  }
0x13: {  	s0 =	sshra.s32 s0, $0x2;
	s31 =	sand.u32 $0x1FFFFF8, s1;
	s6 =	ssub.s32 s16, s6  }
0x14: {  	s30 =	sadd.s32 s0, s30;
	s3 =	smulhi.u32 $0x1745D18, s31;
	s16 =	sadd.s32 $0xFFFFFFFD, s6  }
0x15: {  	s1 =	ssub.s32 $0x4, s6;
	s6 =	smov.u32 s14;
	p1 =	sgt.s32 s16, $0x0  }
0x16: {  	s16 =	sshra.s32 s14, $0x1F;
	s0 =	smul.u32 $0xB0, s3;
	s1 =	simm.s32 @p1 $0x0  }
0x17: {  	v5 =	vld [tilespmem:s28+$0xFFFFFFD0];
	p1 =	sgt.s32 s14, $0x1;
	s3 =	ssub.s32 $0x0, s15;
	s16 =	sand.u32 s16, s14  }
0x18: {  	v58 =	vld [tilespmem:s28+$0xFFFFFFE0];
	s6 =	simm.s32 @!p1 $0x1;
	s3 =	smin.u32 s15, s3;
	s16 =	sxor.u32 $0xFFFFFFFF, s16  }
0x19: {  	v59 =	vld [tilespmem:s28+$0xFFFFFFF0];
	p1 =	sgt.s32 s3, $0x7F;
	s3 =	ssub.s32 $0x80, s3;
	s6 =	sadd.s32 s16, s6  }
0x1a: {  	v60 =	vld [tilespmem:s28+$0x0];
	s16 =	smov.u32 s13;
	s3 =	simm.s32 @p1 $0x0;
	p1 =	sgt.s32 s13, $0xC7  }
0x1b: {  	[tilespmem:s29+$0x2040 ss:$0x81] =	vst.msk $0xffff, v4;
	v61 =	vld [tilespmem:s28+$0x10];
	s16 =	simm.s32 @!p1 $0xC7;
	s1 =	smul.u32 s1, s3  }
0x1c: {  	[tilespmem:s29+$0x2850 ss:$0x81] =	vst.msk $0xffff, v3;
	v62 =	vld [tilespmem:s28+$0x20];
	s3 =	sshra.s32 s13, $0x1F;
	p1 =	sgt.s32 s6, $0x0;
	s6 =	ssub.s32 $0x1, s6  }
0x1d: {  	[tilespmem:s29+$0x3060 ss:$0x81] =	vst.msk $0xffff, v2;
	v63 =	vld [tilespmem:s28+$0xFFFFFFC0];
	s28 =	smul.u32 $0x89800, s14;
	s3 =	sand.u32 s3, s13;
	s6 =	simm.s32 @p1 $0x0  }
0x1e: {  	[tilespmem:s29+$0x0 ss:$0x81] =	vst.msk $0xffff, v1;
	p1 =	sgt.s32 s12, $0x30;
	s3 =	ssub.s32 s16, s3;
	s1 =	smul.u32 s6, s1  }
0x1f: {  	[tilespmem:s30+$0x3870 ss:$0x81] =	vst.msk $0xffff, v0;
	s16 =	smov.u32 s12;
	s6 =	smul.u32 $0x113000, s2;
	s29 =	sadd.s32 $0xFFFFFF39, s3  }
0x20: {  	[tilespmem:s30+$0x810 ss:$0x81] =	vst.msk $0xffff, v5;
	s16 =	simm.s32 @!p1 $0x30;
	s3 =	ssub.s32 $0xC8, s3;
	p1 =	sgt.s32 s29, $0x0  }
0x21: {  	[tilespmem:s30+$0x1020 ss:$0x81] =	vst.msk $0xffff, v58;
	s16 =	ssub.s32 $0xB0, s16;
	s29 =	rddreg [dreg:$0x1];
	s3 =	simm.s32 @p1 $0x0  }
0x22: {  	[tilespmem:s30+$0x1830 ss:$0x81] =	vst.msk $0xffff, v59;
	s1 =	smul.u32 s16, s1;
	s16 =	sshrl.u32 s15, $0x3;
	s6 =	sadd.s32 s29, s6  }
0x23: {  	[tilespmem:s30+$0x2040 ss:$0x81] =	vst.msk $0xffff, v60;
	s6 =	sadd.s32 s28, s6;
	s28 =	smul.u32 $0xB00, s13;
	s16 =	sand.u32 $0xF, s16  }
0x24: {  	[tilespmem:s30+$0x2850 ss:$0x81] =	vst.msk $0xffff, v61;
	s0 =	ssub.s32 s31, s0;
	s1 =	smul.u32 s3, s1;
	s29 =	sadd.s32 s16, s6  }
0x25: {  	[tilespmem:s30+$0x3060 ss:$0x81] =	vst.msk $0xffff, v62;
	s0 =	sshll.u32 s0, $0x4;
	s3 =	sadd.s32 s28, s29  }
0x26: {  	[tilespmem:s30+$0x0 ss:$0x81] =	vst.msk $0xffff, v63;
	s31 =	sand.u32 $0x7, s15;
	s1 =	sand.u32 $0x3FFFFFFF, s1;
	s0 =	sadd.s32 s0, s3  }
0x27: {  	[hbm4b:s0+s31] =	stream.linear.scatter [tilespmem:s27], [sflag:$0x2], s1, $0x20;
	[tilespmem:$0x10100] =	vst v63  }
.LBB1_5:
0x28: {  	p1 =	slt.u32 s21, $0x2  }
0x29: {  	s0 =	smov.u32 s26;
	s28 =	smov.u32 s20;
	s31 =	sadd.s32 $0x1, s21  }
0x2a: {  	p0 =	por !p0, !p0;
	p2 =	sgt.s32 @!p1 s26, $0x3;
	s1 =	sshra.s32 @!p1 s26, $0x1F  }
0x2b: {  	p3 =	sgt.s32 @!p1 s25, $0x1;
	s3 =	sshra.s32 @!p1 s25, $0x1F;
	p2 =	por !p2, p1  }
0x2c: {  	s6 =	ssub.s32 @!p1 $0x0, s24;
	s1 =	sand.u32 @!p1 s1, s26;
	s0 =	simm.s32 @p2 $0x3  }
0x2d: {  	s16 =	sshra.s32 @!p1 s23, $0x1F;
	s27 =	simm.s32 @!p1 $0x2;
	s0 =	ssub.s32 @!p1 s0, s1  }
0x2e: {  	p3 =	por !p3, p1;
	s3 =	sand.u32 @!p1 s3, s25;
	s1 =	sadd.s32 @!p1 $0xFFFFFFFD, s0  }
0x2f: {  	s6 =	smin.u32 @!p1 s24, s6;
	s3 =	sxor.u32 @!p1 $0xFFFFFFFF, s3;
	p2 =	sgt.s32 @!p1 s1, $0x0  }
0x30: {  	s0 =	ssub.s32 @!p1 $0x4, s0;
	s1 =	smov.u32 s25;
	p2 =	por !p2, p1  }
0x31: {  	s1 =	simm.s32 @p3 $0x1;
	s0 =	simm.s32 @!p2 $0x0;
	p2 =	sgt.s32 @!p1 s23, $0xC7  }
0x32: {  	s1 =	sadd.s32 @!p1 s3, s1;
	s3 =	smov.u32 s23;
	p2 =	por !p2, p1  }
0x33: {  	s16 =	sand.u32 @!p1 s16, s23;
	s3 =	simm.s32 @p2 $0xC7;
	p2 =	sgt.s32 @!p1 s6, $0x7F  }
0x34: {  	p3 =	sgt.s32 @!p1 s1, $0x0;
	s6 =	ssub.s32 @!p1 $0x80, s6;
	p2 =	por !p2, p1  }
0x35: {  	s1 =	ssub.s32 @!p1 $0x1, s1;
	p3 =	por !p3, p1;
	s6 =	simm.s32 @!p2 $0x0  }
0x36: {  	s1 =	simm.s32 @!p3 $0x0;
	p2 =	sgt.s32 @!p1 s22, $0x30;
	s0 =	smul.u32 @!p1 s0, s6  }
0x37: {  	s3 =	ssub.s32 @!p1 s3, s16;
	s16 =	smov.u32 s18;
	p2 =	por !p2, p1  }
0x38: {  	s6 =	sadd.s32 @!p1 $0xFFFFFF39, s3;
	s22 =	simm.s32 @p2 $0x30;
	s0 =	smul.u32 @!p1 s1, s0  }
0x39: {  	p2 =	sgt.s32 @!p1 s6, $0x0;
	s1 =	ssub.s32 @!p1 $0xC8, s3;
	s3 =	ssub.s32 @!p1 $0xB0, s22  }
0x3a: {  	p2 =	por !p2, p1;
	s0 =	smul.u32 @!p1 s3, s0;
	s3 =	sadd.s32 $0x2, s17  }
0x3b: {  	s6 =	sadd.s32 $0x2, s18;
	s1 =	simm.s32 @!p2 $0x0;
	p2 =	sgt.s32 s3, $0xC7  }
0x3c: {  	s0 =	smul.u32 @!p1 s1, s0;
	s16 =	smov.u32 @p2 s6;
	s3 =	smov.u32 @p2 s5  }
0x3d: {  	s1 =	sadd.s32 $0x80, s19;
	s6 =	smov.u32 s19;
	p2 =	sgt.s32 s16, $0x1  }
0x3e: {  	s24 =	smov.u32 s15;
	s26 =	smov.u32 s2;
	s6 =	smov.u32 @p2 s1  }
0x3f: {  	s16 =	smov.u32 @p2 s4;
	s1 =	sadd.s32 $0x4, s20;
	p2 =	sgt.s32 s6, $0x7F  }
0x40: {  	s15 =	smov.u32 s19;
	s2 =	smov.u32 s20;
	s28 =	smov.u32 @p2 s1  }
0x41: {  	s25 =	smov.u32 s14;
	s6 =	simm.s32 @p2 $0x0;
	p2 =	sgt.s32 s28, $0x3  }
0x42: {  	s14 =	smov.u32 s18;
	s28 =	smov.u32 @p2 s8;
	p2 =	sne.s32 s21, s11  }
.Ltmp1:
0x43: {  	s23 =	smov.u32 s13;
	s0 =	sand.u32 @!p1 $0x3FFFFFFF, s0;
	(pc) =	sbr.rel @!p2 .LBB1_6-.Ltmp1, $4  }
0x44: {  	s13 =	smov.u32 s17;
	s22 =	smov.u32 s12;
	_ =	swait.ge @!p1 [sflag:s27], s0  }
0x45: {  	s12 =	smov.u32 s9;
	s0 =	ssub.s32 @!p1 $0x0, s0;
	[sflag:s27] =	ssyncset.done @!p1 $0x0  }
0x46: {  	s17 =	smov.u32 s3;
	s18 =	smov.u32 s16;
	[sflag:s27] =	ssyncadd.s32 @!p1 s0  }
0x47: {  	s19 =	smov.u32 s6;
	s21 =	smov.u32 s31;
	s20 =	smov.u32 s28  }
.LBB1_1:
0x48: {  	p1 =	sge.u32 s21, s7  }
0x49: {  	s0 =	sshll.u32 @!p1 s17, $0x8  }
0x4a: {  	s27 =	sshll.u32 @!p1 s17, $0x7;
	s0 =	sand.u32 @!p1 $0xFFFFF800, s0  }
0x4b: {  	s27 =	sand.u32 @!p1 $0x300, s27;
	s0 =	sor.u32 @!p1 s10, s0  }
0x4c: {  	s28 =	smul.u32 @!p1 $0x190000, s20;
	s0 =	sor.u32 @!p1 s27, s0  }
0x4d: {  	s29 =	smul.u32 @!p1 $0x3200, s19;
	s0 =	sshrl.u32 @!p1 s0, $0x8  }
0x4e: {  	s1 =	rddreg [dreg:$0x3];
	s27 =	smulhi.u32 @!p1 $0x147AE15, s0  }
0x4f: {  	s31 =	smul.u32 @!p1 $0x1900, s18;
	s28 =	sadd.s32 @!p1 s1, s28  }
0x50: {  	s30 =	sxor.u32 @!p1 $0xFFFFFFFF, s21;
	s28 =	sadd.s32 @!p1 s29, s28;
	s27 =	smul.u32 @!p1 $0xC8, s27  }
0x51: {  	s30 =	sshll.u32 @!p1 s30, $0xE;
	s29 =	sshll.u32 @!p1 s17, $0x4;
	s28 =	sadd.s32 @!p1 s31, s28  }
0x52: {  	s31 =	sadd.s32 $0xFFFFFFFF, s21;
	s0 =	ssub.s32 @!p1 s0, s27;
	s27 =	sand.u32 @!p1 $0x10, s29  }
0x53: {  	s29 =	sand.u32 @!p1 $0x4000, s30;
	s0 =	sshll.u32 @!p1 s0, $0x5;
	s27 =	sadd.s32 @!p1 s27, s28  }
0x54: {  	s28 =	simm.s32 @!p1 $0x19000;
	s0 =	sadd.s32 @!p1 s0, s27;
	s27 =	simm.s32 @!p1 $0x80  }
0x55: {  	[tilespmem:s29], [sflag:$0x1] =	stream.strided.gather @!p1 [hbm4b:s0+s27], $0x4000, s28, s27, $0x38;
	[tilespmem:$0x10100] =	vst v63  }
0x56: {  	p1 =	sge.u32 s31, s7  }
.Ltmp2:
0x57: {  	_ = 	snop;
	(pc) =	sbr.rel @p1 .LBB1_5-.Ltmp2, $1  }
0x58: {  	_ =	sdelay $0x3  }
0x59: {  	s0 =	simm.s32 $0x1;
	s1 =	simm.s32 $0x1  }
0x5a: {  	s0 =	simm.s32 @!p0 $0x0;
	_ =	swait.ge [sflag:s1], $0x4000  }
0x5b: {  	s27 =	sshll.u32 s0, $0xE;
	[sflag:s1] =	ssyncset.done $0x0  }
0x5c: {  	s27 =	sor.u32 $0x40, s27;
	[sflag:s1] =	ssyncadd.s32 $0xFFFFC000  }
0x5d: {  	s0 =	smul.u32 $0x10200, s0;
	v0 =	vld [tilespmem:s27+$0x30]  }
0x5e: {  	v1 =	vld [tilespmem:s27+$0xFFFFFFD0]  }
0x5f: {  	s0 =	sshrl.u32 s0, $0x2;
	v5 =	vld [tilespmem:s27+$0xFFFFFFE0]  }
0x60: {  	v6 =	vld [tilespmem:s27+$0xFFFFFFF0];
	s30 =	sor.u32 $0x8000, s0  }
0x61: {  	s16 =	sand.u32 $0x1, s21;
	v4 =	vld [tilespmem:s27+$0x0];
	s29 =	sadd.s32 $0x0, s30  }
0x62: {  	v3 =	vld [tilespmem:s27+$0x10];
	s0 =	smul.u32 $0x10200, s16;
	[tilespmem:s29+$0x3870 ss:$0x81] =	vst.msk $0xffff, v0  }
0x63: {  	v2 =	vld [tilespmem:s27+$0x20];
	[tilespmem:s29+$0x810 ss:$0x81] =	vst.msk $0xffff, v1  }
0x64: {  	s28 =	sadd.s32 $0x80, s27;
	s0 =	sshrl.u32 s0, $0x2;
	v1 =	vld [tilespmem:s27+$0xFFFFFFC0];
	[tilespmem:s29+$0x1020 ss:$0x81] =	vst.msk $0xffff, v5  }
0x65: {  	s31 =	simm.s32 $0x8;
	s27 =	sor.u32 $0x8000, s0;
	s0 =	simm.s32 $0x4;
	v0 =	vld [tilespmem:s28+$0x30];
	[tilespmem:s29+$0x1830 ss:$0x81] =	vst.msk $0xffff, v6  }
.LBB1_3:
0x66: {  	p1 =	sne.s32 s31, $0x1FC;
	v5 =	vld [tilespmem:s28+$0xFFFFFFD0];
	[tilespmem:s29+$0x2040 ss:$0x81] =	vst.msk $0xffff, v4  }
0x67: {  	v6 =	vld [tilespmem:s28+$0xFFFFFFE0];
	[tilespmem:s29+$0x2850 ss:$0x81] =	vst.msk $0xffff, v3  }
0x68: {  	s1 =	sshra.s32 s0, $0x2;
	s0 =	smov.u32 s31;
	v7 =	vld [tilespmem:s28+$0xFFFFFFF0];
	[tilespmem:s29+$0x3060 ss:$0x81] =	vst.msk $0xffff, v2  }
.Ltmp3:
0x69: {  	v4 =	vld [tilespmem:s28+$0x0];
	[tilespmem:s29+$0x0 ss:$0x81] =	vst.msk $0xffff, v1;
	s29 =	sadd.s32 s1, s30;
	(pc) =	sbr.rel @p1 .LBB1_3-.Ltmp3, $4  }
0x6a: {  	v3 =	vld [tilespmem:s28+$0x10];
	[tilespmem:s29+$0x3870 ss:$0x81] =	vst.msk $0xffff, v0  }
0x6b: {  	[tilespmem:s29+$0x810 ss:$0x81] =	vst.msk $0xffff, v5;
	v2 =	vld [tilespmem:s28+$0x20]  }
0x6c: {  	v1 =	vld [tilespmem:s28+$0xFFFFFFC0];
	[tilespmem:s29+$0x1020 ss:$0x81] =	vst.msk $0xffff, v6;
	s28 =	sadd.s32 $0x80, s28  }
0x6d: {  	s31 =	sadd.s32 $0x4, s31;
	v0 =	vld [tilespmem:s28+$0x30];
	[tilespmem:s29+$0x1830 ss:$0x81] =	vst.msk $0xffff, v7  }
.Ltmp4:
0x6e: {  	_ = 	snop;
	(pc) =	sbr.rel .LBB1_4-.Ltmp4, $1  }
0x6f: {  	_ =	sdelay $0x3  }
.LBB1_6:
0x70: {  	_ =	sfence.sel $0x180000  }
0x71: {  	s0 =	simm.s32 $0x1;
	[bflag:$0x0] =	sbarrier.arrive $0xFFFF  }
0x72: {  	s30 =	simm.s32 $0x2;
	[sflag:s0] =	ssyncpa.u1 $0x1  }
0x73: {  	[sflag:s30] =	ssyncpa.u1 $0x1  }
0x74: {  	_ =	strace $0x90000047  }
0x75: {  	s31 =	stileid.u32;
	[bflag:$0x2] =	sbarrier.arrive $0xFFFF  }
0x76: {  	p0 =	sne.s32 s31, $0x0;
	s0 =	rddreg [dreg:$0x2]  }
0x77: {  	s0 =	sadd.s32 @!p0 $0x100000, s0  }
0x78: {  	[sflag:s0] =	ssyncadd.tile.s32 @!p0 $0x1;
	_ =	shalt  }
.Lfunc_end1:
_tile_overlayer_lowered:
.L_overlay_start_2:
0x79: {  	(tag) =	ssettag $0x2  }
0x7a: {  	s0 =	rddreg [dreg:$0x0];
	s2 =	stileid.u32  }
0x7b: {  	s1 =	rddreg [dreg:$0x1];
	p0 =	sne.s32 s2, $0x0  }
0x7c: {  	s3 =	rddreg [dreg:$0x2];
	[bflag:$0x3] =	sbarrier.arrive $0xFFFF;
	s2 =	simm.s32 @!p0 $0x1C01  }
0x7d: {  	[timem:s3], [sflag:s2] =	dma.local @!p0 [hbm:s0], s1  }
0x7e: {  	s0 =	simm.s32 @!p0 $0x1  }
0x7f: {  	_ =	swait.ge @!p0 [sflag:s0], s1  }
0x80: {  	s1 =	ssub.s32 @!p0 $0x0, s1;
	[sflag:s0] =	ssyncset.done @!p0 $0x0  }
0x81: {  	[sflag:s0] =	ssyncadd.s32 @!p0 s1  }
0x82: {  	[bflag:$0x3] =	sbarrier.arrive $0xFFFF  }
0x83: {  	_ =	shalt  }

</sc_bundles>
